<compile_context>
chip_gen: v7x
topology: tpu7x:2x2x1
jax: 0.10.2.dev20260603
libtpu: 0.0.44.dev20260713+nightly
codegen_flags: <defaults>
</compile_context>

<pallas_src>
import functools
import jax
import jax.numpy as jnp
from jax.experimental import pallas as pl
from jax.experimental.pallas import tpu as pltpu
from jax.experimental.pallas import tpu_sc as plsc

_LANE = 128
_SCL = 16
_RB = 4


def _sc_cumsum_body(in_vmem, out_vmem):
    n = in_vmem.shape[1]

    def chunk(c, carries):
        new = []
        for r in range(_RB):
            v = in_vmem[r, pl.ds(c * _SCL, _SCL)]
            y = plsc.cumsum(v) + carries[r]
            out_vmem[r, pl.ds(c * _SCL, _SCL)] = y
            new.append(carries[r] + jnp.sum(v))
        return tuple(new)

    jax.lax.fori_loop(0, n // _SCL, chunk,
                      tuple(jnp.float32(0.0) for _ in range(_RB)))


def _sc_cumsum_rows(x2d):
    rows, n = x2d.shape
    mesh = plsc.VectorSubcoreMesh(core_axis_name="c", subcore_axis_name="s")

    @functools.partial(
        pl.kernel, mesh=mesh,
        out_type=jax.ShapeDtypeStruct((rows, n), jnp.float32),
        compiler_params=pltpu.CompilerParams(needs_layout_passes=False))
    def k(x_hbm, o_hbm):
        pltpu.emit_pipeline(
            _sc_cumsum_body,
            grid=(rows // _RB,),
            in_specs=[pl.BlockSpec((_RB, n), lambda i: (i, 0))],
            out_specs=[pl.BlockSpec((_RB, n), lambda i: (i, 0))],
            core_axis_name=("c", "s"),
            dimension_semantics=(pltpu.PARALLEL,),
        )(x_hbm, o_hbm)

    return k(x2d)


def _cumsum_kernel(x_ref, o_ref):
    n = x_ref.shape[1]
    chunks = n // _LANE

    ri = jax.lax.broadcasted_iota(jnp.int32, (_LANE, _LANE), 0)
    ci = jax.lax.broadcasted_iota(jnp.int32, (_LANE, _LANE), 1)
    tri = (ri <= ci).astype(jnp.bfloat16)

    dims = (((1,), (0,)), ((), ()))
    carry = jnp.zeros((x_ref.shape[0], 1), jnp.float32)
    for c in range(chunks):
        xc = x_ref[:, c * _LANE:(c + 1) * _LANE]
        hi = xc.astype(jnp.bfloat16)
        lo = (xc - hi.astype(jnp.float32)).astype(jnp.bfloat16)
        yc = jax.lax.dot_general(
            hi, tri, dims, preferred_element_type=jnp.float32)
        yc = yc + jax.lax.dot_general(
            lo, tri, dims, preferred_element_type=jnp.float32)
        o_ref[:, c * _LANE:(c + 1) * _LANE] = yc + carry
        carry = carry + yc[:, _LANE - 1:_LANE]


def _cumsum_rows(x2d, block_rows, interpret=False):
    rows, n = x2d.shape
    grid = (rows // block_rows,)
    return pl.pallas_call(
        _cumsum_kernel,
        grid=grid,
        in_specs=[pl.BlockSpec((block_rows, n), lambda i: (i, 0))],
        out_specs=pl.BlockSpec((block_rows, n), lambda i: (i, 0)),
        out_shape=jax.ShapeDtypeStruct((rows, n), jnp.float32),
        interpret=interpret,
    )(x2d)


def kernel(x):
    b, s, n = x.shape
    x2d = x.reshape(b * s, n).astype(jnp.float32)
    out = _sc_cumsum_rows(x2d)
    return out.reshape(b, s, n).astype(x.dtype)

# --- scband reference (transcript-rebuilt; emitter-appended) ---
"""Pipeline reference for scband-model-new-23656679867423 (READ-ONLY COPY).

The authoritative reference and input builder live on the scoring server;
editing this copy changes nothing except your own understanding.
"""

import jax, jax.numpy as jnp
import numpy as np

DIM = -1

def setup_inputs(seed: int = 0) -> dict:
    key = jax.random.key(seed)
    x = jax.random.normal(key, (2, 8192, 4096), dtype=jnp.float32)
    return {"x": x}

def reference(x):
    # Faithful translation of the module: cumulative sum along `dim`.
    # The original casts to float32, computes an inclusive prefix sum along
    # the specified dimension, and casts back to the input dtype.
    orig_dtype = x.dtype
    out = jnp.cumsum(x.astype(jnp.float32), axis=DIM)
    return out.astype(orig_dtype)

if __name__ == "__main__":
    import jax
    _d = setup_inputs()
    print(jax.jit(kernel)(*tuple(_d.values())))

</pallas_src>

<mosaic_0001>
#map = affine_map<(d0, d1) -> (0, 0)>
module attributes {stable_mosaic.version = 14 : i64} {
  func.func @k(%arg0: i32, %arg1: i32, %arg2: memref<16384x4096xf32, #tpu.memory_space<hbm>>, %arg3: memref<16384x4096xf32, #tpu.memory_space<hbm>>) attributes {dimension_semantics = [#tpu.dimension_semantics<core_parallel>, #tpu.dimension_semantics<subcore_parallel>], iteration_bounds = array<i64: 2, 16>, scalar_prefetch = 0 : i64, scratch_operands = 0 : i64, tpu.core_type = #tpu.core_type<sc_vector_subcore>, window_params = [{transform_indices = #map}, {transform_indices = #map}]} {
    %mul3A = arith.constant 1 : i32
    %mul3A_0 = arith.muli %arg1, %mul3A : i32
    %add3A = arith.constant 0 : i32
    %add3A_1 = arith.addi %add3A, %mul3A_0 : i32
    %mul3A_2 = arith.constant 16 : i32
    %mul3A_3 = arith.muli %arg0, %mul3A_2 : i32
    %add3A_4 = arith.addi %add3A_1, %mul3A_3 : i32
    %mul3A_5 = arith.constant 128 : i32
    %mul3A_6 = arith.muli %add3A_4, %mul3A_5 : i32
    "tpu.region"() ({
      %run_scoped3A = memref.alloca() : memref<2x4x4096xf32, #tpu.memory_space<vmem>>
      %run_scoped3A_7 = tpu.sem_alloc : memref<2x!tpu.dma_semaphore, #tpu.memory_space<semaphore_mem>>
      %run_scoped3A_8 = memref.alloca() : memref<2x4x4096xf32, #tpu.memory_space<vmem>>
      %run_scoped3A_9 = tpu.sem_alloc : memref<2x!tpu.dma_semaphore, #tpu.memory_space<semaphore_mem>>
      %add3A_10 = arith.constant 0 : i32
      %add3A_11 = arith.addi %add3A_10, %mul3A_6 : i32
      %select_n3A = arith.constant true
      %select_n3A_12 = arith.constant 0 : i32
      %select_n3A_13 = arith.constant -1 : i32
      %select_n3A_14 = arith.select %select_n3A, %select_n3A_13, %select_n3A_12 : i32
      %eq3A = arith.constant -1 : i32
      %eq3A_15 = arith.cmpi eq, %select_n3A_14, %eq3A : i32
      %select_n3A_16 = arith.constant 127 : i32
      %select_n3A_17 = arith.select %eq3A_15, %select_n3A_16, %select_n3A_14 : i32
      %add3A_18 = arith.addi %select_n3A_17, %mul3A_6 : i32
      %select_n3A_19 = arith.constant true
      %select_n3A_20 = arith.constant 0 : i32
      %select_n3A_21 = arith.constant 1 : i32
      %select_n3A_22 = arith.select %select_n3A_19, %select_n3A_21, %select_n3A_20 : i32
      %eq3A_23 = arith.constant 128 : i32
      %eq3A_24 = arith.cmpi eq, %select_n3A_22, %eq3A_23 : i32
      %select_n3A_25 = arith.constant 0 : i32
      %select_n3A_26 = arith.select %eq3A_24, %select_n3A_25, %select_n3A_22 : i32
      %add3A_27 = arith.addi %select_n3A_26, %mul3A_6 : i32
      %add3A_28 = arith.constant 1 : i32
      %add3A_29 = arith.addi %select_n3A_26, %add3A_28 : i32
      %select_n3A_30 = arith.constant true
      %select_n3A_31 = arith.select %select_n3A_30, %add3A_29, %select_n3A_26 : i32
      %eq3A_32 = arith.constant 128 : i32
      %eq3A_33 = arith.cmpi eq, %select_n3A_31, %eq3A_32 : i32
      %select_n3A_34 = arith.constant 0 : i32
      %select_n3A_35 = arith.select %eq3A_33, %select_n3A_34, %select_n3A_31 : i32
      %add3A_36 = arith.addi %select_n3A_35, %mul3A_6 : i32
      "tpu.trace_start"() <{level = 10 : i32, message = "ep_initialize_0"}> : () -> ()
      %rem3A = arith.constant 0 : i32
      %rem3A_37 = arith.constant 2 : i32
      %rem3A_38 = arith.remui %rem3A, %rem3A_37 : i32
      %mul3A_39 = arith.constant 4 : i32
      %mul3A_40 = arith.muli %mul3A_39, %add3A_11 : i32
      %dma_start3A = arith.constant 0 : i32
      %dma_start3A_41 = arith.constant 0 : i32
      %dma_start3A_42 = tpu.memref_slice %run_scoped3A[%rem3A_38, %dma_start3A, %dma_start3A_41] : memref<2x4x4096xf32, #tpu.memory_space<vmem>> -> memref<1x4x4096xf32, #tpu.memory_space<vmem>>
      %dma_start3A_43 = tpu.memref_squeeze %dma_start3A_42 : memref<1x4x4096xf32, #tpu.memory_space<vmem>> -> memref<4x4096xf32, #tpu.memory_space<vmem>>
      %dma_start3A_44 = arith.constant 0 : i32
      %dma_start3A_45 = tpu.memref_slice %arg2[%mul3A_40, %dma_start3A_44] : memref<16384x4096xf32, #tpu.memory_space<hbm>> -> memref<4x4096xf32, #tpu.memory_space<hbm>>
      %dma_start3A_46 = tpu.memref_slice %run_scoped3A_7[%rem3A_38] : memref<2x!tpu.dma_semaphore, #tpu.memory_space<semaphore_mem>> -> memref<1x!tpu.dma_semaphore, #tpu.memory_space<semaphore_mem>>
      %dma_start3A_47 = tpu.memref_squeeze %dma_start3A_46 : memref<1x!tpu.dma_semaphore, #tpu.memory_space<semaphore_mem>> -> memref<!tpu.dma_semaphore, #tpu.memory_space<semaphore_mem>>
      %dma_start3A_48 = arith.constant 0 : i32
      %dma_start3A_49 = arith.constant 0 : i32
      %dma_start3A_50 = tpu.memref_slice %run_scoped3A[%rem3A_38, %dma_start3A_48, %dma_start3A_49] : memref<2x4x4096xf32, #tpu.memory_space<vmem>> -> memref<1x4x4096xf32, #tpu.memory_space<vmem>>
      %dma_start3A_51 = tpu.memref_squeeze %dma_start3A_50 : memref<1x4x4096xf32, #tpu.memory_space<vmem>> -> memref<4x4096xf32, #tpu.memory_space<vmem>>
      %dma_start3A_52 = arith.constant 0 : i32
      %dma_start3A_53 = tpu.memref_slice %arg2[%mul3A_40, %dma_start3A_52] : memref<16384x4096xf32, #tpu.memory_space<hbm>> -> memref<4x4096xf32, #tpu.memory_space<hbm>>
      tpu.enqueue_dma source(%dma_start3A_53 : memref<4x4096xf32, #tpu.memory_space<hbm>>) target(%dma_start3A_51 : memref<4x4096xf32, #tpu.memory_space<vmem>>) target_semaphore(%dma_start3A_47 : memref<!tpu.dma_semaphore, #tpu.memory_space<semaphore_mem>>)
      %add3A_54 = arith.constant 0 : i32
      %add3A_55 = arith.constant 1 : i32
      %add3A_56 = arith.addi %add3A_54, %add3A_55 : i32
      %select_n3A_57 = arith.constant true
      %select_n3A_58 = arith.constant 0 : i32
      %select_n3A_59 = arith.select %select_n3A_57, %add3A_56, %select_n3A_58 : i32
      "tpu.trace_stop"() : () -> ()
      %scan3A = arith.constant 0 : i32
      %scan3A_60 = arith.constant 0 : i32
      %scan3A_61 = arith.constant 0 : i32
      %scan3A_62 = arith.constant 0 : i32
      %scan3A_63 = arith.constant 0 : i32
      %scan3A_64 = arith.constant 128 : i32
      %scan3A_65 = arith.addi %scan3A_63, %scan3A_64 : i32
      %scan3A_66 = arith.constant 1 : i32
      %scan3A_67:5 = scf.for %scan3A_121 = %scan3A_63 to %scan3A_65 step %scan3A_66 iter_args(%scan3A_122 = %select_n3A_59, %scan3A_123 = %scan3A, %scan3A_124 = %scan3A_60, %scan3A_125 = %scan3A_61, %scan3A_126 = %scan3A_62) -> (i32, i32, i32, i32, i32)  : i32 {
        %eq3A_127 = arith.constant 0 : i32
        %eq3A_128 = arith.cmpi eq, %scan3A_121, %eq3A_127 : i32
        %eq3A_129 = arith.constant 127 : i32
        %eq3A_130 = arith.cmpi eq, %scan3A_121, %eq3A_129 : i32
        %add3A_131 = arith.addi %scan3A_126, %mul3A_6 : i32
        %sub3A_132 = arith.constant 1 : i32
        %sub3A_133 = arith.subi %scan3A_126, %sub3A_132 : i32
        %select_n3A_134 = arith.constant true
        %select_n3A_135 = arith.select %select_n3A_134, %sub3A_133, %scan3A_126 : i32
        %eq3A_136 = arith.constant -1 : i32
        %eq3A_137 = arith.cmpi eq, %select_n3A_135, %eq3A_136 : i32
        %select_n3A_138 = arith.constant 127 : i32
        %select_n3A_139 = arith.select %eq3A_137, %select_n3A_138, %select_n3A_135 : i32
        %add3A_140 = arith.addi %select_n3A_139, %mul3A_6 : i32
        %add3A_141 = arith.constant 1 : i32
        %add3A_142 = arith.addi %scan3A_126, %add3A_141 : i32
        %select_n3A_143 = arith.constant true
        %select_n3A_144 = arith.select %select_n3A_143, %add3A_142, %scan3A_126 : i32
        %eq3A_145 = arith.constant 128 : i32
        %eq3A_146 = arith.cmpi eq, %select_n3A_144, %eq3A_145 : i32
        %select_n3A_147 = arith.constant 0 : i32
        %select_n3A_148 = arith.select %eq3A_146, %select_n3A_147, %select_n3A_144 : i32
        %add3A_149 = arith.addi %select_n3A_148, %mul3A_6 : i32
        %add3A_150 = arith.constant 1 : i32
        %add3A_151 = arith.addi %select_n3A_148, %add3A_150 : i32
        %select_n3A_152 = arith.constant true
        %select_n3A_153 = arith.select %select_n3A_152, %add3A_151, %select_n3A_148 : i32
        %eq3A_154 = arith.constant 128 : i32
        %eq3A_155 = arith.cmpi eq, %select_n3A_153, %eq3A_154 : i32
        %select_n3A_156 = arith.constant 0 : i32
        %select_n3A_157 = arith.select %eq3A_155, %select_n3A_156, %select_n3A_153 : i32
        %add3A_158 = arith.addi %select_n3A_157, %mul3A_6 : i32
        %ne3A = arith.cmpi ne, %add3A_131, %add3A_149 : i32
        %or3A = arith.constant false
        %or3A_159 = arith.ori %or3A, %ne3A : i1
        %or3A_160 = arith.constant false
        %or3A_161 = arith.ori %or3A_159, %or3A_160 : i1
        %ge3A = arith.constant 127 : i32
        %ge3A_162 = arith.cmpi sge, %scan3A_121, %ge3A : i32
        %not3A = arith.constant true
        %not3A_163 = arith.xori %ge3A_162, %not3A : i1
        %and3A = arith.andi %or3A_161, %not3A_163 : i1
        %convert_element_type3A = arith.extui %and3A : i1 to i32
        %cond3A = arith.constant 0 : i32
        %cond3A_164 = arith.cmpi ne, %convert_element_type3A, %cond3A : i32
        scf.if %cond3A_164 {
          "tpu.trace_start"() <{level = 10 : i32, message = "ep_copy_in"}> : () -> ()
          %rem3A_283 = arith.constant 2 : i32
          %rem3A_284 = arith.remui %scan3A_122, %rem3A_283 : i32
          %mul3A_285 = arith.constant 4 : i32
          %mul3A_286 = arith.muli %mul3A_285, %add3A_149 : i32
          %dma_start3A_287 = arith.constant 0 : i32
          %dma_start3A_288 = arith.constant 0 : i32
          %dma_start3A_289 = tpu.memref_slice %run_scoped3A[%rem3A_284, %dma_start3A_287, %dma_start3A_288] : memref<2x4x4096xf32, #tpu.memory_space<vmem>> -> memref<1x4x4096xf32, #tpu.memory_space<vmem>>
          %dma_start3A_290 = tpu.memref_squeeze %dma_start3A_289 : memref<1x4x4096xf32, #tpu.memory_space<vmem>> -> memref<4x4096xf32, #tpu.memory_space<vmem>>
          %dma_start3A_291 = arith.constant 0 : i32
          %dma_start3A_292 = tpu.memref_slice %arg2[%mul3A_286, %dma_start3A_291] : memref<16384x4096xf32, #tpu.memory_space<hbm>> -> memref<4x4096xf32, #tpu.memory_space<hbm>>
          %dma_start3A_293 = tpu.memref_slice %run_scoped3A_7[%rem3A_284] : memref<2x!tpu.dma_semaphore, #tpu.memory_space<semaphore_mem>> -> memref<1x!tpu.dma_semaphore, #tpu.memory_space<semaphore_mem>>
          %dma_start3A_294 = tpu.memref_squeeze %dma_start3A_293 : memref<1x!tpu.dma_semaphore, #tpu.memory_space<semaphore_mem>> -> memref<!tpu.dma_semaphore, #tpu.memory_space<semaphore_mem>>
          %dma_start3A_295 = arith.constant 0 : i32
          %dma_start3A_296 = arith.constant 0 : i32
          %dma_start3A_297 = tpu.memref_slice %run_scoped3A[%rem3A_284, %dma_start3A_295, %dma_start3A_296] : memref<2x4x4096xf32, #tpu.memory_space<vmem>> -> memref<1x4x4096xf32, #tpu.memory_space<vmem>>
          %dma_start3A_298 = tpu.memref_squeeze %dma_start3A_297 : memref<1x4x4096xf32, #tpu.memory_space<vmem>> -> memref<4x4096xf32, #tpu.memory_space<vmem>>
          %dma_start3A_299 = arith.constant 0 : i32
          %dma_start3A_300 = tpu.memref_slice %arg2[%mul3A_286, %dma_start3A_299] : memref<16384x4096xf32, #tpu.memory_space<hbm>> -> memref<4x4096xf32, #tpu.memory_space<hbm>>
          tpu.enqueue_dma source(%dma_start3A_300 : memref<4x4096xf32, #tpu.memory_space<hbm>>) target(%dma_start3A_298 : memref<4x4096xf32, #tpu.memory_space<vmem>>) target_semaphore(%dma_start3A_294 : memref<!tpu.dma_semaphore, #tpu.memory_space<semaphore_mem>>)
          "tpu.trace_stop"() : () -> ()
        } else {
        }
        %and3A_165 = arith.constant true
        %and3A_166 = arith.andi %and3A, %and3A_165 : i1
        %add3A_167 = arith.constant 1 : i32
        %add3A_168 = arith.addi %scan3A_122, %add3A_167 : i32
        %select_n3A_169 = arith.select %and3A_166, %add3A_168, %scan3A_122 : i32
        %ne3A_170 = arith.cmpi ne, %add3A_131, %add3A_149 : i32
        %or3A_171 = arith.constant false
        %or3A_172 = arith.ori %or3A_171, %ne3A_170 : i1
        %or3A_173 = arith.constant false
        %or3A_174 = arith.ori %or3A_172, %or3A_173 : i1
        %ge3A_175 = arith.constant 127 : i32
        %ge3A_176 = arith.cmpi sge, %scan3A_121, %ge3A_175 : i32
        %not3A_177 = arith.constant true
        %not3A_178 = arith.xori %ge3A_176, %not3A_177 : i1
        %and3A_179 = arith.andi %or3A_174, %not3A_178 : i1
        %ne3A_180 = arith.cmpi ne, %add3A_131, %add3A_140 : i32
        %or3A_181 = arith.constant false
        %or3A_182 = arith.ori %or3A_181, %ne3A_180 : i1
        %or3A_183 = arith.constant false
        %or3A_184 = arith.ori %or3A_182, %or3A_183 : i1
        %or3A_185 = arith.ori %or3A_184, %eq3A_128 : i1
        %convert_element_type3A_186 = arith.extui %or3A_185 : i1 to i32
        %cond3A_187 = arith.constant 0 : i32
        %cond3A_188 = arith.cmpi ne, %convert_element_type3A_186, %cond3A_187 : i32
        scf.if %cond3A_188 {
          "tpu.trace_start"() <{level = 10 : i32, message = "ep_wait_in"}> : () -> ()
          %mul3A_283 = arith.constant 4 : i32
          %mul3A_284 = arith.muli %mul3A_283, %add3A_131 : i32
          %rem3A_285 = arith.constant 2 : i32
          %rem3A_286 = arith.remui %scan3A_123, %rem3A_285 : i32
          %dma_wait3A_287 = arith.constant 0 : i32
          %dma_wait3A_288 = arith.constant 0 : i32
          %dma_wait3A_289 = tpu.memref_slice %run_scoped3A[%rem3A_286, %dma_wait3A_287, %dma_wait3A_288] : memref<2x4x4096xf32, #tpu.memory_space<vmem>> -> memref<1x4x4096xf32, #tpu.memory_space<vmem>>
          %dma_wait3A_290 = tpu.memref_squeeze %dma_wait3A_289 : memref<1x4x4096xf32, #tpu.memory_space<vmem>> -> memref<4x4096xf32, #tpu.memory_space<vmem>>
          %dma_wait3A_291 = arith.constant 0 : i32
          %dma_wait3A_292 = tpu.memref_slice %arg2[%mul3A_284, %dma_wait3A_291] : memref<16384x4096xf32, #tpu.memory_space<hbm>> -> memref<4x4096xf32, #tpu.memory_space<hbm>>
          %dma_wait3A_293 = tpu.memref_slice %run_scoped3A_7[%rem3A_286] : memref<2x!tpu.dma_semaphore, #tpu.memory_space<semaphore_mem>> -> memref<1x!tpu.dma_semaphore, #tpu.memory_space<semaphore_mem>>
          %dma_wait3A_294 = tpu.memref_squeeze %dma_wait3A_293 : memref<1x!tpu.dma_semaphore, #tpu.memory_space<semaphore_mem>> -> memref<!tpu.dma_semaphore, #tpu.memory_space<semaphore_mem>>
          %dma_wait3A_295 = arith.constant 0 : i32
          %dma_wait3A_296 = arith.constant 0 : i32
          %dma_wait3A_297 = tpu.memref_slice %run_scoped3A[%rem3A_286, %dma_wait3A_295, %dma_wait3A_296] : memref<2x4x4096xf32, #tpu.memory_space<vmem>> -> memref<1x4x4096xf32, #tpu.memory_space<vmem>>
          %dma_wait3A_298 = tpu.memref_squeeze %dma_wait3A_297 : memref<1x4x4096xf32, #tpu.memory_space<vmem>> -> memref<4x4096xf32, #tpu.memory_space<vmem>>
          %dma_wait3A_299 = arith.constant 0 : i32
          %dma_wait3A_300 = tpu.memref_slice %arg2[%mul3A_284, %dma_wait3A_299] : memref<16384x4096xf32, #tpu.memory_space<hbm>> -> memref<4x4096xf32, #tpu.memory_space<hbm>>
          tpu.wait_dma2 semaphore(%dma_wait3A_294 : memref<!tpu.dma_semaphore, #tpu.memory_space<semaphore_mem>>) src(%dma_wait3A_300 : memref<4x4096xf32, #tpu.memory_space<hbm>>) dst(%dma_wait3A_298 : memref<4x4096xf32, #tpu.memory_space<vmem>>)
          "tpu.trace_stop"() : () -> ()
        } else {
        }
        %ne3A_189 = arith.cmpi ne, %add3A_131, %add3A_140 : i32
        %or3A_190 = arith.constant false
        %or3A_191 = arith.ori %or3A_190, %ne3A_189 : i1
        %or3A_192 = arith.constant false
        %or3A_193 = arith.ori %or3A_191, %or3A_192 : i1
        %or3A_194 = arith.ori %or3A_193, %eq3A_128 : i1
        %convert_element_type3A_195 = arith.extui %or3A_194 : i1 to i32
        %cond3A_196 = arith.constant 0 : i32
        %cond3A_197 = arith.cmpi ne, %convert_element_type3A_195, %cond3A_196 : i32
        scf.if %cond3A_197 {
        } else {
        }
        %rem3A_198 = arith.constant 2 : i32
        %rem3A_199 = arith.remui %scan3A_123, %rem3A_198 : i32
        %rem3A_200 = arith.constant 2 : i32
        %rem3A_201 = arith.remui %scan3A_124, %rem3A_200 : i32
        "tpu.trace_start"() <{level = 10 : i32, message = "ep_run_kernel"}> : () -> ()
        %scan3A_202 = arith.constant 0.000000e+00 : f32
        %scan3A_203 = arith.constant 0.000000e+00 : f32
        %scan3A_204 = arith.constant 0.000000e+00 : f32
        %scan3A_205 = arith.constant 0.000000e+00 : f32
        %scan3A_206 = arith.constant 0 : i32
        %scan3A_207 = arith.constant 256 : i32
        %scan3A_208 = arith.addi %scan3A_206, %scan3A_207 : i32
        %scan3A_209 = arith.constant 1 : i32
        %scan3A_210:4 = scf.for %scan3A_283 = %scan3A_206 to %scan3A_208 step %scan3A_209 iter_args(%scan3A_284 = %scan3A_202, %scan3A_285 = %scan3A_203, %scan3A_286 = %scan3A_204, %scan3A_287 = %scan3A_205) -> (f32, f32, f32, f32)  : i32 {
          %mul3A_288 = arith.constant 16 : i32
          %mul3A_289 = arith.muli %scan3A_283, %mul3A_288 : i32
          %get3A = arith.constant 0 : i32
          %get3A_290 = arith.constant 0 : i32
          %get3A_291 = arith.constant 0 : i32
          %get3A_292 = tpu.memref_slice %run_scoped3A[%rem3A_199, %get3A_290, %get3A_291] : memref<2x4x4096xf32, #tpu.memory_space<vmem>> -> memref<1x4x4096xf32, #tpu.memory_space<vmem>>
          %get3A_293 = tpu.memref_squeeze %get3A_292 : memref<1x4x4096xf32, #tpu.memory_space<vmem>> -> memref<4x4096xf32, #tpu.memory_space<vmem>>
          %get3A_294 = arith.index_cast %get3A : i32 to index
          %get3A_295 = arith.index_cast %mul3A_289 : i32 to index
          %get3A_296 = tpu.vector_load %get3A_293[%get3A_294, %get3A_295] {strides = array<i32>} : memref<4x4096xf32, #tpu.memory_space<vmem>>, vector<16xf32>,
          %broadcast_in_dim3A = arith.constant true
          %broadcast_in_dim3A_297 = vector.broadcast %broadcast_in_dim3A : i1 to vector<16xi1>
          %masked_cumsum3A = tpu.scan <sum>, %get3A_296 masked %broadcast_in_dim3A_297 : vector<16xf32>, vector<16xi1> -> vector<16xf32>
          %add3A_298 = vector.broadcast %scan3A_284 : f32 to vector<16xf32>
          %add3A_299 = arith.addf %masked_cumsum3A, %add3A_298 : vector<16xf32>
          %mul3A_300 = arith.constant 16 : i32
          %mul3A_301 = arith.muli %scan3A_283, %mul3A_300 : i32
          %swap3A = arith.constant 0 : i32
          %swap3A_302 = arith.constant 0 : i32
          %swap3A_303 = arith.constant 0 : i32
          %swap3A_304 = tpu.memref_slice %run_scoped3A_8[%rem3A_201, %swap3A_302, %swap3A_303] : memref<2x4x4096xf32, #tpu.memory_space<vmem>> -> memref<1x4x4096xf32, #tpu.memory_space<vmem>>
          %swap3A_305 = tpu.memref_squeeze %swap3A_304 : memref<1x4x4096xf32, #tpu.memory_space<vmem>> -> memref<4x4096xf32, #tpu.memory_space<vmem>>
          %swap3A_306 = arith.index_cast %swap3A : i32 to index
          %swap3A_307 = arith.index_cast %mul3A_301 : i32 to index
          %swap3A_308 = tpu.vector_load %swap3A_305[%swap3A_306, %swap3A_307] {strides = array<i32>} : memref<4x4096xf32, #tpu.memory_space<vmem>>, vector<16xf32>,
          tpu.vector_store %swap3A_305[%swap3A_306, %swap3A_307], %add3A_299 {strides = array<i32>} : memref<4x4096xf32, #tpu.memory_space<vmem>>, vector<16xf32>,
          %reduce_sum3A = arith.constant true
          %reduce_sum3A_309 = vector.broadcast %reduce_sum3A : i1 to vector<16xi1>
          %reduce_sum3A_310 = tpu.scan <sum>, %get3A_296 masked %reduce_sum3A_309 : vector<16xf32>, vector<16xi1> -> vector<16xf32>
          %reduce_sum3A_311 = vector.extract %reduce_sum3A_310[15] : f32 from vector<16xf32>
          %add3A_312 = arith.addf %scan3A_284, %reduce_sum3A_311 : f32
          %mul3A_313 = arith.constant 16 : i32
          %mul3A_314 = arith.muli %scan3A_283, %mul3A_313 : i32
          %get3A_315 = arith.constant 1 : i32
          %get3A_316 = arith.constant 0 : i32
          %get3A_317 = arith.constant 0 : i32
          %get3A_318 = tpu.memref_slice %run_scoped3A[%rem3A_199, %get3A_316, %get3A_317] : memref<2x4x4096xf32, #tpu.memory_space<vmem>> -> memref<1x4x4096xf32, #tpu.memory_space<vmem>>
          %get3A_319 = tpu.memref_squeeze %get3A_318 : memref<1x4x4096xf32, #tpu.memory_space<vmem>> -> memref<4x4096xf32, #tpu.memory_space<vmem>>
          %get3A_320 = arith.index_cast %get3A_315 : i32 to index
          %get3A_321 = arith.index_cast %mul3A_314 : i32 to index
          %get3A_322 = tpu.vector_load %get3A_319[%get3A_320, %get3A_321] {strides = array<i32>} : memref<4x4096xf32, #tpu.memory_space<vmem>>, vector<16xf32>,
          %broadcast_in_dim3A_323 = arith.constant true
          %broadcast_in_dim3A_324 = vector.broadcast %broadcast_in_dim3A_323 : i1 to vector<16xi1>
          %masked_cumsum3A_325 = tpu.scan <sum>, %get3A_322 masked %broadcast_in_dim3A_324 : vector<16xf32>, vector<16xi1> -> vector<16xf32>
          %add3A_326 = vector.broadcast %scan3A_285 : f32 to vector<16xf32>
          %add3A_327 = arith.addf %masked_cumsum3A_325, %add3A_326 : vector<16xf32>
          %mul3A_328 = arith.constant 16 : i32
          %mul3A_329 = arith.muli %scan3A_283, %mul3A_328 : i32
          %swap3A_330 = arith.constant 1 : i32
          %swap3A_331 = arith.constant 0 : i32
          %swap3A_332 = arith.constant 0 : i32
          %swap3A_333 = tpu.memref_slice %run_scoped3A_8[%rem3A_201, %swap3A_331, %swap3A_332] : memref<2x4x4096xf32, #tpu.memory_space<vmem>> -> memref<1x4x4096xf32, #tpu.memory_space<vmem>>
          %swap3A_334 = tpu.memref_squeeze %swap3A_333 : memref<1x4x4096xf32, #tpu.memory_space<vmem>> -> memref<4x4096xf32, #tpu.memory_space<vmem>>
          %swap3A_335 = arith.index_cast %swap3A_330 : i32 to index
          %swap3A_336 = arith.index_cast %mul3A_329 : i32 to index
          %swap3A_337 = tpu.vector_load %swap3A_334[%swap3A_335, %swap3A_336] {strides = array<i32>} : memref<4x4096xf32, #tpu.memory_space<vmem>>, vector<16xf32>,
          tpu.vector_store %swap3A_334[%swap3A_335, %swap3A_336], %add3A_327 {strides = array<i32>} : memref<4x4096xf32, #tpu.memory_space<vmem>>, vector<16xf32>,
          %reduce_sum3A_338 = arith.constant true
          %reduce_sum3A_339 = vector.broadcast %reduce_sum3A_338 : i1 to vector<16xi1>
          %reduce_sum3A_340 = tpu.scan <sum>, %get3A_322 masked %reduce_sum3A_339 : vector<16xf32>, vector<16xi1> -> vector<16xf32>
          %reduce_sum3A_341 = vector.extract %reduce_sum3A_340[15] : f32 from vector<16xf32>
          %add3A_342 = arith.addf %scan3A_285, %reduce_sum3A_341 : f32
          %mul3A_343 = arith.constant 16 : i32
          %mul3A_344 = arith.muli %scan3A_283, %mul3A_343 : i32
          %get3A_345 = arith.constant 2 : i32
          %get3A_346 = arith.constant 0 : i32
          %get3A_347 = arith.constant 0 : i32
          %get3A_348 = tpu.memref_slice %run_scoped3A[%rem3A_199, %get3A_346, %get3A_347] : memref<2x4x4096xf32, #tpu.memory_space<vmem>> -> memref<1x4x4096xf32, #tpu.memory_space<vmem>>
          %get3A_349 = tpu.memref_squeeze %get3A_348 : memref<1x4x4096xf32, #tpu.memory_space<vmem>> -> memref<4x4096xf32, #tpu.memory_space<vmem>>
          %get3A_350 = arith.index_cast %get3A_345 : i32 to index
          %get3A_351 = arith.index_cast %mul3A_344 : i32 to index
          %get3A_352 = tpu.vector_load %get3A_349[%get3A_350, %get3A_351] {strides = array<i32>} : memref<4x4096xf32, #tpu.memory_space<vmem>>, vector<16xf32>,
          %broadcast_in_dim3A_353 = arith.constant true
          %broadcast_in_dim3A_354 = vector.broadcast %broadcast_in_dim3A_353 : i1 to vector<16xi1>
          %masked_cumsum3A_355 = tpu.scan <sum>, %get3A_352 masked %broadcast_in_dim3A_354 : vector<16xf32>, vector<16xi1> -> vector<16xf32>
          %add3A_356 = vector.broadcast %scan3A_286 : f32 to vector<16xf32>
          %add3A_357 = arith.addf %masked_cumsum3A_355, %add3A_356 : vector<16xf32>
          %mul3A_358 = arith.constant 16 : i32
          %mul3A_359 = arith.muli %scan3A_283, %mul3A_358 : i32
          %swap3A_360 = arith.constant 2 : i32
          %swap3A_361 = arith.constant 0 : i32
          %swap3A_362 = arith.constant 0 : i32
          %swap3A_363 = tpu.memref_slice %run_scoped3A_8[%rem3A_201, %swap3A_361, %swap3A_362] : memref<2x4x4096xf32, #tpu.memory_space<vmem>> -> memref<1x4x4096xf32, #tpu.memory_space<vmem>>
          %swap3A_364 = tpu.memref_squeeze %swap3A_363 : memref<1x4x4096xf32, #tpu.memory_space<vmem>> -> memref<4x4096xf32, #tpu.memory_space<vmem>>
          %swap3A_365 = arith.index_cast %swap3A_360 : i32 to index
          %swap3A_366 = arith.index_cast %mul3A_359 : i32 to index
          %swap3A_367 = tpu.vector_load %swap3A_364[%swap3A_365, %swap3A_366] {strides = array<i32>} : memref<4x4096xf32, #tpu.memory_space<vmem>>, vector<16xf32>,
          tpu.vector_store %swap3A_364[%swap3A_365, %swap3A_366], %add3A_357 {strides = array<i32>} : memref<4x4096xf32, #tpu.memory_space<vmem>>, vector<16xf32>,
          %reduce_sum3A_368 = arith.constant true
          %reduce_sum3A_369 = vector.broadcast %reduce_sum3A_368 : i1 to vector<16xi1>
          %reduce_sum3A_370 = tpu.scan <sum>, %get3A_352 masked %reduce_sum3A_369 : vector<16xf32>, vector<16xi1> -> vector<16xf32>
          %reduce_sum3A_371 = vector.extract %reduce_sum3A_370[15] : f32 from vector<16xf32>
          %add3A_372 = arith.addf %scan3A_286, %reduce_sum3A_371 : f32
          %mul3A_373 = arith.constant 16 : i32
          %mul3A_374 = arith.muli %scan3A_283, %mul3A_373 : i32
          %get3A_375 = arith.constant 3 : i32
          %get3A_376 = arith.constant 0 : i32
          %get3A_377 = arith.constant 0 : i32
          %get3A_378 = tpu.memref_slice %run_scoped3A[%rem3A_199, %get3A_376, %get3A_377] : memref<2x4x4096xf32, #tpu.memory_space<vmem>> -> memref<1x4x4096xf32, #tpu.memory_space<vmem>>
          %get3A_379 = tpu.memref_squeeze %get3A_378 : memref<1x4x4096xf32, #tpu.memory_space<vmem>> -> memref<4x4096xf32, #tpu.memory_space<vmem>>
          %get3A_380 = arith.index_cast %get3A_375 : i32 to index
          %get3A_381 = arith.index_cast %mul3A_374 : i32 to index
          %get3A_382 = tpu.vector_load %get3A_379[%get3A_380, %get3A_381] {strides = array<i32>} : memref<4x4096xf32, #tpu.memory_space<vmem>>, vector<16xf32>,
          %broadcast_in_dim3A_383 = arith.constant true
          %broadcast_in_dim3A_384 = vector.broadcast %broadcast_in_dim3A_383 : i1 to vector<16xi1>
          %masked_cumsum3A_385 = tpu.scan <sum>, %get3A_382 masked %broadcast_in_dim3A_384 : vector<16xf32>, vector<16xi1> -> vector<16xf32>
          %add3A_386 = vector.broadcast %scan3A_287 : f32 to vector<16xf32>
          %add3A_387 = arith.addf %masked_cumsum3A_385, %add3A_386 : vector<16xf32>
          %mul3A_388 = arith.constant 16 : i32
          %mul3A_389 = arith.muli %scan3A_283, %mul3A_388 : i32
          %swap3A_390 = arith.constant 3 : i32
          %swap3A_391 = arith.constant 0 : i32
          %swap3A_392 = arith.constant 0 : i32
          %swap3A_393 = tpu.memref_slice %run_scoped3A_8[%rem3A_201, %swap3A_391, %swap3A_392] : memref<2x4x4096xf32, #tpu.memory_space<vmem>> -> memref<1x4x4096xf32, #tpu.memory_space<vmem>>
          %swap3A_394 = tpu.memref_squeeze %swap3A_393 : memref<1x4x4096xf32, #tpu.memory_space<vmem>> -> memref<4x4096xf32, #tpu.memory_space<vmem>>
          %swap3A_395 = arith.index_cast %swap3A_390 : i32 to index
          %swap3A_396 = arith.index_cast %mul3A_389 : i32 to index
          %swap3A_397 = tpu.vector_load %swap3A_394[%swap3A_395, %swap3A_396] {strides = array<i32>} : memref<4x4096xf32, #tpu.memory_space<vmem>>, vector<16xf32>,
          tpu.vector_store %swap3A_394[%swap3A_395, %swap3A_396], %add3A_387 {strides = array<i32>} : memref<4x4096xf32, #tpu.memory_space<vmem>>, vector<16xf32>,
          %reduce_sum3A_398 = arith.constant true
          %reduce_sum3A_399 = vector.broadcast %reduce_sum3A_398 : i1 to vector<16xi1>
          %reduce_sum3A_400 = tpu.scan <sum>, %get3A_382 masked %reduce_sum3A_399 : vector<16xf32>, vector<16xi1> -> vector<16xf32>
          %reduce_sum3A_401 = vector.extract %reduce_sum3A_400[15] : f32 from vector<16xf32>
          %add3A_402 = arith.addf %scan3A_287, %reduce_sum3A_401 : f32
          scf.yield %add3A_312, %add3A_342, %add3A_372, %add3A_402 : f32, f32, f32, f32
        }
        %scan3A_211 = arith.constant 256 : i32
        "tpu.trace_stop"() : () -> ()
        %ne3A_212 = arith.cmpi ne, %add3A_131, %add3A_149 : i32
        %or3A_213 = arith.constant false
        %or3A_214 = arith.ori %or3A_213, %ne3A_212 : i1
        %or3A_215 = arith.constant false
        %or3A_216 = arith.ori %or3A_214, %or3A_215 : i1
        %or3A_217 = arith.ori %or3A_216, %eq3A_130 : i1
        %convert_element_type3A_218 = arith.extui %or3A_217 : i1 to i32
        %cond3A_219 = arith.constant 0 : i32
        %cond3A_220 = arith.cmpi ne, %convert_element_type3A_218, %cond3A_219 : i32
        scf.if %cond3A_220 {
        } else {
        }
        %and3A_221 = arith.constant false
        %and3A_222 = arith.andi %or3A_217, %and3A_221 : i1
        %ne3A_223 = arith.cmpi ne, %add3A_131, %add3A_149 : i32
        %or3A_224 = arith.constant false
        %or3A_225 = arith.ori %or3A_224, %ne3A_223 : i1
        %or3A_226 = arith.constant false
        %or3A_227 = arith.ori %or3A_225, %or3A_226 : i1
        %or3A_228 = arith.ori %or3A_227, %eq3A_130 : i1
        %convert_element_type3A_229 = arith.extui %or3A_228 : i1 to i32
        %cond3A_230 = arith.constant 0 : i32
        %cond3A_231 = arith.cmpi ne, %convert_element_type3A_229, %cond3A_230 : i32
        scf.if %cond3A_231 {
          "tpu.trace_start"() <{level = 10 : i32, message = "ep_copy_out"}> : () -> ()
          %rem3A_283 = arith.constant 2 : i32
          %rem3A_284 = arith.remui %scan3A_124, %rem3A_283 : i32
          %mul3A_285 = arith.constant 4 : i32
          %mul3A_286 = arith.muli %mul3A_285, %add3A_131 : i32
          %dma_start3A_287 = arith.constant 0 : i32
          %dma_start3A_288 = arith.constant 0 : i32
          %dma_start3A_289 = tpu.memref_slice %run_scoped3A_8[%rem3A_284, %dma_start3A_287, %dma_start3A_288] : memref<2x4x4096xf32, #tpu.memory_space<vmem>> -> memref<1x4x4096xf32, #tpu.memory_space<vmem>>
          %dma_start3A_290 = tpu.memref_squeeze %dma_start3A_289 : memref<1x4x4096xf32, #tpu.memory_space<vmem>> -> memref<4x4096xf32, #tpu.memory_space<vmem>>
          %dma_start3A_291 = arith.constant 0 : i32
          %dma_start3A_292 = tpu.memref_slice %arg3[%mul3A_286, %dma_start3A_291] : memref<16384x4096xf32, #tpu.memory_space<hbm>> -> memref<4x4096xf32, #tpu.memory_space<hbm>>
          %dma_start3A_293 = tpu.memref_slice %run_scoped3A_9[%rem3A_284] : memref<2x!tpu.dma_semaphore, #tpu.memory_space<semaphore_mem>> -> memref<1x!tpu.dma_semaphore, #tpu.memory_space<semaphore_mem>>
          %dma_start3A_294 = tpu.memref_squeeze %dma_start3A_293 : memref<1x!tpu.dma_semaphore, #tpu.memory_space<semaphore_mem>> -> memref<!tpu.dma_semaphore, #tpu.memory_space<semaphore_mem>>
          %dma_start3A_295 = arith.constant 0 : i32
          %dma_start3A_296 = tpu.memref_slice %arg3[%mul3A_286, %dma_start3A_295] : memref<16384x4096xf32, #tpu.memory_space<hbm>> -> memref<4x4096xf32, #tpu.memory_space<hbm>>
          %dma_start3A_297 = arith.constant 0 : i32
          %dma_start3A_298 = arith.constant 0 : i32
          %dma_start3A_299 = tpu.memref_slice %run_scoped3A_8[%rem3A_284, %dma_start3A_297, %dma_start3A_298] : memref<2x4x4096xf32, #tpu.memory_space<vmem>> -> memref<1x4x4096xf32, #tpu.memory_space<vmem>>
          %dma_start3A_300 = tpu.memref_squeeze %dma_start3A_299 : memref<1x4x4096xf32, #tpu.memory_space<vmem>> -> memref<4x4096xf32, #tpu.memory_space<vmem>>
          tpu.enqueue_dma source(%dma_start3A_300 : memref<4x4096xf32, #tpu.memory_space<vmem>>) target(%dma_start3A_296 : memref<4x4096xf32, #tpu.memory_space<hbm>>) target_semaphore(%dma_start3A_294 : memref<!tpu.dma_semaphore, #tpu.memory_space<semaphore_mem>>)
          "tpu.trace_stop"() : () -> ()
        } else {
        }
        %and3A_232 = arith.constant true
        %and3A_233 = arith.andi %or3A_228, %and3A_232 : i1
        %add3A_234 = arith.constant 1 : i32
        %add3A_235 = arith.addi %scan3A_124, %add3A_234 : i32
        %select_n3A_236 = arith.select %and3A_233, %add3A_235, %scan3A_124 : i32
        %ne3A_237 = arith.cmpi ne, %add3A_131, %add3A_140 : i32
        %or3A_238 = arith.constant false
        %or3A_239 = arith.ori %or3A_238, %ne3A_237 : i1
        %or3A_240 = arith.constant false
        %or3A_241 = arith.ori %or3A_239, %or3A_240 : i1
        %not3A_242 = arith.constant true
        %not3A_243 = arith.xori %eq3A_128, %not3A_242 : i1
        %and3A_244 = arith.andi %or3A_241, %not3A_243 : i1
        %convert_element_type3A_245 = arith.extui %and3A_244 : i1 to i32
        %cond3A_246 = arith.constant 0 : i32
        %cond3A_247 = arith.cmpi ne, %convert_element_type3A_245, %cond3A_246 : i32
        scf.if %cond3A_247 {
        } else {
        }
        %and3A_248 = arith.constant false
        %and3A_249 = arith.andi %and3A_244, %and3A_248 : i1
        %ne3A_250 = arith.cmpi ne, %add3A_131, %add3A_140 : i32
        %or3A_251 = arith.constant false
        %or3A_252 = arith.ori %or3A_251, %ne3A_250 : i1
        %or3A_253 = arith.constant false
        %or3A_254 = arith.ori %or3A_252, %or3A_253 : i1
        %not3A_255 = arith.constant true
        %not3A_256 = arith.xori %eq3A_128, %not3A_255 : i1
        %and3A_257 = arith.andi %or3A_254, %not3A_256 : i1
        %convert_element_type3A_258 = arith.extui %and3A_257 : i1 to i32
        %cond3A_259 = arith.constant 0 : i32
        %cond3A_260 = arith.cmpi ne, %convert_element_type3A_258, %cond3A_259 : i32
        scf.if %cond3A_260 {
          "tpu.trace_start"() <{level = 10 : i32, message = "ep_wait_out"}> : () -> ()
          %rem3A_283 = arith.constant 2 : i32
          %rem3A_284 = arith.remui %scan3A_125, %rem3A_283 : i32
          %mul3A_285 = arith.constant 4 : i32
          %mul3A_286 = arith.muli %mul3A_285, %add3A_140 : i32
          %dma_wait3A_287 = arith.constant 0 : i32
          %dma_wait3A_288 = arith.constant 0 : i32
          %dma_wait3A_289 = tpu.memref_slice %run_scoped3A_8[%rem3A_284, %dma_wait3A_287, %dma_wait3A_288] : memref<2x4x4096xf32, #tpu.memory_space<vmem>> -> memref<1x4x4096xf32, #tpu.memory_space<vmem>>
          %dma_wait3A_290 = tpu.memref_squeeze %dma_wait3A_289 : memref<1x4x4096xf32, #tpu.memory_space<vmem>> -> memref<4x4096xf32, #tpu.memory_space<vmem>>
          %dma_wait3A_291 = arith.constant 0 : i32
          %dma_wait3A_292 = tpu.memref_slice %arg3[%mul3A_286, %dma_wait3A_291] : memref<16384x4096xf32, #tpu.memory_space<hbm>> -> memref<4x4096xf32, #tpu.memory_space<hbm>>
          %dma_wait3A_293 = tpu.memref_slice %run_scoped3A_9[%rem3A_284] : memref<2x!tpu.dma_semaphore, #tpu.memory_space<semaphore_mem>> -> memref<1x!tpu.dma_semaphore, #tpu.memory_space<semaphore_mem>>
          %dma_wait3A_294 = tpu.memref_squeeze %dma_wait3A_293 : memref<1x!tpu.dma_semaphore, #tpu.memory_space<semaphore_mem>> -> memref<!tpu.dma_semaphore, #tpu.memory_space<semaphore_mem>>
          %dma_wait3A_295 = arith.constant 0 : i32
          %dma_wait3A_296 = tpu.memref_slice %arg3[%mul3A_286, %dma_wait3A_295] : memref<16384x4096xf32, #tpu.memory_space<hbm>> -> memref<4x4096xf32, #tpu.memory_space<hbm>>
          %dma_wait3A_297 = arith.constant 0 : i32
          %dma_wait3A_298 = arith.constant 0 : i32
          %dma_wait3A_299 = tpu.memref_slice %run_scoped3A_8[%rem3A_284, %dma_wait3A_297, %dma_wait3A_298] : memref<2x4x4096xf32, #tpu.memory_space<vmem>> -> memref<1x4x4096xf32, #tpu.memory_space<vmem>>
          %dma_wait3A_300 = tpu.memref_squeeze %dma_wait3A_299 : memref<1x4x4096xf32, #tpu.memory_space<vmem>> -> memref<4x4096xf32, #tpu.memory_space<vmem>>
          tpu.wait_dma2 semaphore(%dma_wait3A_294 : memref<!tpu.dma_semaphore, #tpu.memory_space<semaphore_mem>>) src(%dma_wait3A_300 : memref<4x4096xf32, #tpu.memory_space<vmem>>) dst(%dma_wait3A_296 : memref<4x4096xf32, #tpu.memory_space<hbm>>)
          "tpu.trace_stop"() : () -> ()
        } else {
        }
        %and3A_261 = arith.constant true
        %and3A_262 = arith.andi %and3A_257, %and3A_261 : i1
        %add3A_263 = arith.constant 1 : i32
        %add3A_264 = arith.addi %scan3A_125, %add3A_263 : i32
        %select_n3A_265 = arith.select %and3A_262, %add3A_264, %scan3A_125 : i32
        %ne3A_266 = arith.cmpi ne, %add3A_131, %add3A_149 : i32
        %or3A_267 = arith.constant false
        %or3A_268 = arith.ori %or3A_267, %ne3A_266 : i1
        %or3A_269 = arith.constant false
        %or3A_270 = arith.ori %or3A_268, %or3A_269 : i1
        %or3A_271 = arith.ori %or3A_270, %eq3A_130 : i1
        %add3A_272 = arith.constant 1 : i32
        %add3A_273 = arith.addi %scan3A_123, %add3A_272 : i32
        %select_n3A_274 = arith.select %or3A_271, %add3A_273, %scan3A_123 : i32
        %add3A_275 = arith.constant 1 : i32
        %add3A_276 = arith.addi %scan3A_126, %add3A_275 : i32
        %select_n3A_277 = arith.constant true
        %select_n3A_278 = arith.select %select_n3A_277, %add3A_276, %scan3A_126 : i32
        %eq3A_279 = arith.constant 128 : i32
        %eq3A_280 = arith.cmpi eq, %select_n3A_278, %eq3A_279 : i32
        %select_n3A_281 = arith.constant 0 : i32
        %select_n3A_282 = arith.select %eq3A_280, %select_n3A_281, %select_n3A_278 : i32
        scf.yield %select_n3A_169, %select_n3A_274, %select_n3A_236, %select_n3A_265, %select_n3A_282 : i32, i32, i32, i32, i32
      }
      %scan3A_68 = arith.constant 128 : i32
      %sub3A = arith.constant 1 : i32
      %sub3A_69 = arith.subi %scan3A_67#4, %sub3A : i32
      %select_n3A_70 = arith.constant true
      %select_n3A_71 = arith.select %select_n3A_70, %sub3A_69, %scan3A_67#4 : i32
      %eq3A_72 = arith.constant -1 : i32
      %eq3A_73 = arith.cmpi eq, %select_n3A_71, %eq3A_72 : i32
      %select_n3A_74 = arith.constant 127 : i32
      %select_n3A_75 = arith.select %eq3A_73, %select_n3A_74, %select_n3A_71 : i32
      %add3A_76 = arith.addi %select_n3A_75, %mul3A_6 : i32
      %sub3A_77 = arith.constant 1 : i32
      %sub3A_78 = arith.subi %select_n3A_75, %sub3A_77 : i32
      %select_n3A_79 = arith.constant true
      %select_n3A_80 = arith.select %select_n3A_79, %sub3A_78, %select_n3A_75 : i32
      %eq3A_81 = arith.constant -1 : i32
      %eq3A_82 = arith.cmpi eq, %select_n3A_80, %eq3A_81 : i32
      %select_n3A_83 = arith.constant 127 : i32
      %select_n3A_84 = arith.select %eq3A_82, %select_n3A_83, %select_n3A_80 : i32
      %add3A_85 = arith.addi %select_n3A_84, %mul3A_6 : i32
      %add3A_86 = arith.constant 1 : i32
      %add3A_87 = arith.addi %select_n3A_75, %add3A_86 : i32
      %select_n3A_88 = arith.constant true
      %select_n3A_89 = arith.select %select_n3A_88, %add3A_87, %select_n3A_75 : i32
      %eq3A_90 = arith.constant 128 : i32
      %eq3A_91 = arith.cmpi eq, %select_n3A_89, %eq3A_90 : i32
      %select_n3A_92 = arith.constant 0 : i32
      %select_n3A_93 = arith.select %eq3A_91, %select_n3A_92, %select_n3A_89 : i32
      %add3A_94 = arith.addi %select_n3A_93, %mul3A_6 : i32
      %add3A_95 = arith.constant 1 : i32
      %add3A_96 = arith.addi %select_n3A_93, %add3A_95 : i32
      %select_n3A_97 = arith.constant true
      %select_n3A_98 = arith.select %select_n3A_97, %add3A_96, %select_n3A_93 : i32
      %eq3A_99 = arith.constant 128 : i32
      %eq3A_100 = arith.cmpi eq, %select_n3A_98, %eq3A_99 : i32
      %select_n3A_101 = arith.constant 0 : i32
      %select_n3A_102 = arith.select %eq3A_100, %select_n3A_101, %select_n3A_98 : i32
      %add3A_103 = arith.addi %select_n3A_102, %mul3A_6 : i32
      "tpu.trace_start"() <{level = 10 : i32, message = "ep_finalize"}> : () -> ()
      %rem3A_104 = arith.constant 2 : i32
      %rem3A_105 = arith.remui %scan3A_67#3, %rem3A_104 : i32
      %mul3A_106 = arith.constant 4 : i32
      %mul3A_107 = arith.muli %mul3A_106, %add3A_76 : i32
      %dma_wait3A = arith.constant 0 : i32
      %dma_wait3A_108 = arith.constant 0 : i32
      %dma_wait3A_109 = tpu.memref_slice %run_scoped3A_8[%rem3A_105, %dma_wait3A, %dma_wait3A_108] : memref<2x4x4096xf32, #tpu.memory_space<vmem>> -> memref<1x4x4096xf32, #tpu.memory_space<vmem>>
      %dma_wait3A_110 = tpu.memref_squeeze %dma_wait3A_109 : memref<1x4x4096xf32, #tpu.memory_space<vmem>> -> memref<4x4096xf32, #tpu.memory_space<vmem>>
      %dma_wait3A_111 = arith.constant 0 : i32
      %dma_wait3A_112 = tpu.memref_slice %arg3[%mul3A_107, %dma_wait3A_111] : memref<16384x4096xf32, #tpu.memory_space<hbm>> -> memref<4x4096xf32, #tpu.memory_space<hbm>>
      %dma_wait3A_113 = tpu.memref_slice %run_scoped3A_9[%rem3A_105] : memref<2x!tpu.dma_semaphore, #tpu.memory_space<semaphore_mem>> -> memref<1x!tpu.dma_semaphore, #tpu.memory_space<semaphore_mem>>
      %dma_wait3A_114 = tpu.memref_squeeze %dma_wait3A_113 : memref<1x!tpu.dma_semaphore, #tpu.memory_space<semaphore_mem>> -> memref<!tpu.dma_semaphore, #tpu.memory_space<semaphore_mem>>
      %dma_wait3A_115 = arith.constant 0 : i32
      %dma_wait3A_116 = tpu.memref_slice %arg3[%mul3A_107, %dma_wait3A_115] : memref<16384x4096xf32, #tpu.memory_space<hbm>> -> memref<4x4096xf32, #tpu.memory_space<hbm>>
      %dma_wait3A_117 = arith.constant 0 : i32
      %dma_wait3A_118 = arith.constant 0 : i32
      %dma_wait3A_119 = tpu.memref_slice %run_scoped3A_8[%rem3A_105, %dma_wait3A_117, %dma_wait3A_118] : memref<2x4x4096xf32, #tpu.memory_space<vmem>> -> memref<1x4x4096xf32, #tpu.memory_space<vmem>>
      %dma_wait3A_120 = tpu.memref_squeeze %dma_wait3A_119 : memref<1x4x4096xf32, #tpu.memory_space<vmem>> -> memref<4x4096xf32, #tpu.memory_space<vmem>>
      tpu.wait_dma2 semaphore(%dma_wait3A_114 : memref<!tpu.dma_semaphore, #tpu.memory_space<semaphore_mem>>) src(%dma_wait3A_120 : memref<4x4096xf32, #tpu.memory_space<vmem>>) dst(%dma_wait3A_116 : memref<4x4096xf32, #tpu.memory_space<hbm>>)
      "tpu.trace_stop"() : () -> ()
      tpu.yield
    }) : () -> ()
    return
  }
}

</mosaic_0001>

<sc_bundles>
// kernel: kernel.3.cloned.1.call-start
scs
__scs_entry_jumppad:
0x0: {  	(pc) =	sbr.rel $0x88, $3  }
0x1: {  	(tag) =	ssettag $0x0;
	lr =	simm.s32 $0x1  }
0x2: {  	[smem:$0x3FA0] =	sst lr;
	_ =	strace $0xD0000000  }
0x3: {  	_ = 	snop  }
0x4: {  	_ = 	snop  }
0x5: {  	_ = 	snop  }
0x6: {  	_ = 	snop  }
0x7: {  	_ = 	snop  }
__scs_overlays_trampoline_lowered:
0x8: {  	[smem:$0x3FAF] =	sst s0  }
0x9: {  	[smem:$0x3FB0] =	sst s1  }
0xa: {  	[smem:$0x3FB1] =	sst s2  }
0xb: {  	[smem:$0x3FB2] =	sst s3  }
0xc: {  	[smem:$0x3FB3] =	sst s4  }
0xd: {  	[smem:$0x3FB4] =	sst s5  }
0xe: {  	[smem:$0x3FB5] =	sst s6  }
0xf: {  	[smem:$0x3FB6] =	sst s7  }
0x10: {  	[smem:$0x3FB7] =	sst s8  }
0x11: {  	[smem:$0x3FB8] =	sst s9;
	s0 =	simm.s32 @!p0 $0x0  }
0x12: {  	s1 =	sld [smem:$0x3F9E];
	s0 =	simm.s32 @p0 $0x1  }
0x13: {  	[smem:$0x3FB9] =	sst s0;
	s0 =	simm.s32 @!p1 $0x0  }
0x14: {  	s2 =	sld [smem:$0x3F9D];
	s0 =	simm.s32 @p1 $0x1  }
0x15: {  	[smem:$0x3FBA] =	sst s0;
	s0 =	simm.s32 @!p2 $0x0  }
0x16: {  	s3 =	sld [smem:$0x3FDB];
	s0 =	simm.s32 @p2 $0x1  }
0x17: {  	s4 =	simm.s32 $0x1BF5;
	[smem:$0x3FBC] =	sst s0  }
0x18: {  	s0 =	sld [smem:$0x3F9F];
	_ =	swait.ge [sflag:s4], $0x0  }
0x19: {  	s7 =	sld [smem:$0x3FA0]  }
0x1a: {  	s8 =	sadd.s32 $0xFFFFE003, lr  }
0x1b: {  	s9 =	sadd.s32 $0xFFFFFEF7, lr;
	s5 =	simm.s32 $0xFFFFFFFF;
	p2 =	slt.u32 s8, $0xFFFFF086  }
0x1c: {  	p1 =	slt.u32 s9, $0xF7A;
	s5 =	simm.s32 @!p2 $0x0  }
0x1d: {  	s5 =	simm.s32 @p1 $0x1;
	p0 =	seq.s32 s7, s2  }
0x1e: {  	s7 =	smul.u32 @!p0 $0xF7A, s2;
	p2 =	seq.s32 @!p0 s5, $0x0  }
0x1f: {  	s9 =	smul.u32 $0xF7A, s1;
	s8 =	simm.s32 @!p0 $0x1BF5;
	p2 =	por !p2, p0  }
0x20: {  	[sflag:s8] =	ssyncset.s32 @!p0 $0xFFFFF086;
	s6 =	sadd.s32 @!p0 s3, s7;
	s7 =	simm.s32 @!p0 $0x108  }
0x21: {  	s3 =	sadd.s32 s3, s9;
	s6 =	sadd.s32 @!p0 $0x88, s6;
	s7 =	simm.s32 @p2 $0x1082  }
0x22: {  	[simem:s7], [sflag:s8] =	dma.local @!p0 [hbm:s6], $0xF7A  }
0x23: {  	s9 =	sor.u32 $0xD0000000, s2;
	s6 =	simm.s32 $0x108;
	_ =	swait.ge @!p0 [sflag:s8], $0x0  }
0x24: {  	s3 =	sadd.s32 $0x88, s3;
	s6 =	simm.s32 @!p1 $0x1082;
	[sflag:s4] =	ssyncset.s32 $0xFFFFF086  }
0x25: {  	[simem:s6], [sflag:s4] =	dma.local [hbm:s3], $0xF7A  }
0x26: {  	[smem:$0x3FA0] =	sst s1;
	(tag) =	ssettag s2;
	_ =	strace s9  }
0x27: {  	s1 =	sld [smem:$0x3FB0]  }
0x28: {  	s2 =	sld [smem:$0x3FB1]  }
0x29: {  	s4 =	sld [smem:$0x3FB3]  }
0x2a: {  	p0 =	seq.s32 s5, $0x0;
	s5 =	sld [smem:$0x3FB4]  }
0x2b: {  	s6 =	sld [smem:$0x3FB5]  }
0x2c: {  	s7 =	sld [smem:$0x3FB6]  }
0x2d: {  	s3 =	simm.s32 $0x108;
	s8 =	sld [smem:$0x3FB7]  }
0x2e: {  	s3 =	simm.s32 @!p0 $0x1082;
	s9 =	sld [smem:$0x3FB8]  }
0x2f: {  	lr =	sadd.s32 s0, s3;
	s0 =	sld [smem:$0x3FAF]  }
0x30: {  	s3 =	sld [smem:$0x3FB2]  }
0x31: {  	[smem:$0x3FBB] =	sst s10  }
0x32: {  	s10 =	sld [smem:$0x3FB9];
	_ =	sdelay $0x3  }
0x33: {  	p0 =	seq.s32 s10, $0x1;
	s10 =	sld [smem:$0x3FBB];
	_ =	sdelay $0x3  }
0x34: {  	[smem:$0x3FBB] =	sst s10  }
0x35: {  	s10 =	sld [smem:$0x3FBA];
	_ =	sdelay $0x3  }
0x36: {  	p1 =	seq.s32 s10, $0x1;
	s10 =	sld [smem:$0x3FBB];
	_ =	sdelay $0x3  }
0x37: {  	[smem:$0x3FBB] =	sst s10  }
0x38: {  	s10 =	sld [smem:$0x3FBC]  }
0x39: {  	_ = 	snop;
	(pc) =	sbr.ind lr, $3  }
0x3a: {  	_ = 	snop  }
0x3b: {  	_ = 	snop  }
0x3c: {  	p2 =	seq.s32 s10, $0x1;
	s10 =	sld [smem:$0x3FBB]  }
0x3d: {  	_ =	shalt  }
0x3e: {  	_ =	shalt  }
0x3f: {  	_ =	shalt  }
0x40: {  	_ =	shalt  }
0x41: {  	_ =	shalt  }
0x42: {  	_ =	shalt  }
0x43: {  	_ =	shalt  }
0x44: {  	_ =	shalt  }
0x45: {  	_ =	shalt  }
0x46: {  	_ =	shalt  }
0x47: {  	_ =	shalt  }
0x48: {  	_ =	shalt  }
0x49: {  	_ =	shalt  }
0x4a: {  	_ =	shalt  }
0x4b: {  	_ =	shalt  }
0x4c: {  	_ =	shalt  }
0x4d: {  	_ =	shalt  }
0x4e: {  	_ =	shalt  }
0x4f: {  	_ =	shalt  }
0x50: {  	_ =	shalt  }
0x51: {  	_ =	shalt  }
0x52: {  	_ =	shalt  }
0x53: {  	_ =	shalt  }
0x54: {  	_ =	shalt  }
0x55: {  	_ =	shalt  }
0x56: {  	_ =	shalt  }
0x57: {  	_ =	shalt  }
0x58: {  	_ =	shalt  }
0x59: {  	_ =	shalt  }
0x5a: {  	_ =	shalt  }
0x5b: {  	_ =	shalt  }
0x5c: {  	_ =	shalt  }
0x5d: {  	_ =	shalt  }
0x5e: {  	_ =	shalt  }
0x5f: {  	_ =	shalt  }
0x60: {  	_ =	shalt  }
0x61: {  	_ =	shalt  }
0x62: {  	_ =	shalt  }
0x63: {  	_ =	shalt  }
0x64: {  	_ =	shalt  }
0x65: {  	_ =	shalt  }
0x66: {  	_ =	shalt  }
0x67: {  	_ =	shalt  }
0x68: {  	_ =	shalt  }
0x69: {  	_ =	shalt  }
0x6a: {  	_ =	shalt  }
0x6b: {  	_ =	shalt  }
0x6c: {  	_ =	shalt  }
0x6d: {  	_ =	shalt  }
0x6e: {  	_ =	shalt  }
0x6f: {  	_ =	shalt  }
0x70: {  	_ =	shalt  }
0x71: {  	_ =	shalt  }
0x72: {  	_ =	shalt  }
0x73: {  	_ =	shalt  }
0x74: {  	_ =	shalt  }
0x75: {  	_ =	shalt  }
0x76: {  	_ =	shalt  }
0x77: {  	_ =	shalt  }
0x78: {  	_ =	shalt  }
0x79: {  	_ =	shalt  }
0x7a: {  	_ =	shalt  }
0x7b: {  	_ =	shalt  }
0x7c: {  	_ =	shalt  }
0x7d: {  	_ =	shalt  }
0x7e: {  	_ =	shalt  }
0x7f: {  	_ =	shalt  }
0x80: {  	_ =	shalt  }
0x81: {  	_ =	shalt  }
0x82: {  	_ =	shalt  }
0x83: {  	_ =	shalt  }
0x84: {  	_ =	shalt  }
0x85: {  	_ =	shalt  }
0x86: {  	_ =	shalt  }
0x87: {  	_ =	shalt  }
.Lfunc_end0:
.L_simem_size_0:
called_computation_lowered:
.L_overlay_start_0:
0x88: {  	s2 =	sld [smem:$0x3FD9]  }
0x89: {  	s3 =	sld [smem:$0x3FFE];
	_ =	sdelay $0x1  }
0x8a: {  	s1 =	srdreg.scid  }
0x8b: {  	s0 =	sand.u32 $0x1, s1  }
0x8c: {  	s18 =	sshll.u32 s0, $0xA;
	s2 =	sadd.s32 s3, s2  }
0x8d: {  	s2 =	sadd.s32 s2, s18  }
0x8e: {  	[smem:$0x3FC7] =	sst s2  }
0x8f: {  	_ = 	snop  }
0x90: {  	s2 =	sld [smem:$0x3FC9]  }
0x91: {  	s19 =	sld [smem:$0x3FD0];
	(tm) =	ssettm $0x1  }
0x92: {  	s4 =	sld [smem:$0x3FFB];
	_ =	sdelay $0x3  }
0x93: {  	_ =	strace s4  }
0x94: {  	s4 =	sld [smem:$0x3FFC];
	_ =	sdelay $0x3  }
0x95: {  	_ =	strace s4  }
0x96: {  	s4 =	sld [smem:$0x3FFD];
	_ =	sdelay $0x3  }
0x97: {  	_ =	strace s4  }
0x98: {  	_ =	strace $0x8FFFFFFF  }
0x99: {  	s20 =	sld [smem:$0x3FDB];
	_ =	sdelay $0x1  }
0x9a: {  	s5 =	simm.s32 $_scs_section_size  }
0x9b: {  	s6 =	simm.s32 $_size__tile_overlayer_lowered;
	s7 =	simm.s32 $_tile_overlayer_lowered  }
0x9c: {  	s23 =	simm.s32 $0x1BFF;
	s22 =	sshll.u32 s7, $0x1;
	s4 =	sadd.s32 s5, s20  }
0x9d: {  	s8 =	simm.s32 $0x0;
	s21 =	sshll.u32 s6, $0x1;
	s6 =	sadd.s32 s22, s4  }
0x9e: {  	[timem:s8], [sflag:s23] =	dma.local [hbm:s6], s21  }
0x9f: {  	_ =	swait.ge [sflag:s23], s21  }
0xa0: {  	s5 =	ssub.s32 $0x0, s21;
	[sflag:s23] =	ssyncset.done $0x0  }
0xa1: {  	[sflag:s23] =	ssyncadd.s32 s5;
	_ =	sdelay $0x1  }
0xa2: {  	s24 =	simm.s32 $0x1B8B  }
0xa3: {  	_ =	swait.ge [sflag:s24], $0x1  }
0xa4: {  	[sflag:s24] =	ssyncset.done $0x0  }
0xa5: {  	s25 =	simm.s32 $0x1B8E;
	[sflag:s24] =	ssyncadd.s32 $0xFFFFFFFF  }
0xa6: {  	s26 =	simm.s32 $execute0_lowered;
	[smem:$0x3FD2] =	sst s25  }
0xa7: {  	s5 =	sshll.u32 s26, $0x1;
	_ =	strace $0x80000046;
	[dreg:$0x1] =	wrdreg $0xFFFFFFFF  }
0xa8: {  	s28 =	simm.s32 $_size_execute0_lowered;
	s4 =	sadd.s32 s4, s5;
	[dreg:$0x0] =	wrdreg $0x0  }
0xa9: {  	s5 =	sshll.u32 s28, $0x1;
	[dreg:$0x2] =	wrdreg s4  }
0xaa: {  	[dreg:$0x3] =	wrdreg s5  }
0xab: {  	[dreg:$0x4] =	wrdreg $0xC0  }
0xac: {  	_ =	task [dreg:s8], $0x5FFFF  }
0xad: {  	[dreg:$0x1] =	wrdreg $0xFFFFFFFF  }
0xae: {  	[dreg:$0x0] =	wrdreg $0x60  }
0xaf: {  	[dreg:$0x2] =	wrdreg s2  }
0xb0: {  	[dreg:$0x3] =	wrdreg s19  }
0xb1: {  	[dreg:$0x4] =	wrdreg $0x9  }
0xb2: {  	_ =	task.clear_ibuf [dreg:s8], $0x5FFFF;
	_ =	strace $0x90000046  }
0xb3: {  	s29 =	simm.s32 $0x9;
	_ =	strace $0x8000004F  }
0xb4: {  	_ =	swait.ge [sflag:s29], $0x1  }
0xb5: {  	[sflag:s29] =	ssyncadd.s32 $0xFFFFFFFF  }
0xb6: {  	_ =	strace $0x9000004F  }
0xb7: {  	_ =	sfence  }
0xb8: {  	s30 =	sld [smem:$0x0];
	_ =	sdelay $0x2  }
0xb9: {  	s31 =	sshll.u32 s1, $0xD;
	s1 =	sshrl.u32 s1, $0x2  }
0xba: {  	s3 =	sand.u32 $0x4000, s31;
	s1 =	sadd.s32 s1, s30  }
0xbb: {  	s0 =	sor.u32 s3, s0;
	s1 =	sshll.u32 s1, $0x11  }
0xbc: {  	s0 =	sor.u32 s1, s0  }
0xbd: {  	s0 =	sadd.s32 $0x8F2B, s0  }
0xbe: {  	[sflag:s0] =	ssyncadd.remote.s32 $0x1  }
0xbf: {  	_ =	sfence.sel $0xFFFF  }
0xc0: {  	[dreg:$0x0] =	wrdreg $0xFFFFFFFF;
	(pc) =	sbr.abs _section_cstart, $3  }
0xc1: {  	[dreg:$0x1] =	wrdreg $0xFFFFFFFF  }
0xc2: {  	_ =	task.clear_ibuf [dreg:s8], $0x2FFFF;
	_ =	strace $0x9FFFFFFF  }
0xc3: {  	(tm) =	ssettm $0x7FFFFFFF  }
tec
execute0_lowered:
.L_overlay_start_1:
0x0: {  	(tag) =	ssettag $0x1  }
0x1: {  	s1 =	rddreg [dreg:$0x0]  }
0x2: {  	s2 =	rddreg [dreg:$0x1];
	s3 =	srdreg.scid  }
0x3: {  	s0 =	rddreg [dreg:$0x2];
	s4 =	simm.s32 $0x0;
	s8 =	simm.s32 $0x200  }
0x4: {  	s9 =	simm.s32 $0x400;
	s10 =	simm.s32 $0x0;
	s5 =	sand.u32 $0x1, s3  }
0x5: {  	s3 =	stileid.u32;
	s6 =	ssub.s32 $0x2, s5;
	s5 =	sshll.u32 s5, $0x4  }
0x6: {  	[smem:$0x7FF] =	sst s4;
	s7 =	sshrl.u32 s6, $0x1;
	s5 =	sor.u32 s3, s5  }
0x7: {  	_ =	strace $0x80000047;
	s7 =	ssub.s32 s6, s7;
	s31 =	sshll.u32 s5, $0x12  }
0x8: {  	s5 =	sshll.u32 s5, $0x7;
	s6 =	sadd.s32 s1, s31;
	s7 =	smax.u32 s7, $0x1  }
.LBB2_1:
0x9: {  	_ =	strace $0x80000048;
	s17 =	simm.s32 $0x0  }
0xa: {  	s11 =	simm.s32 $0x0;
	s12 =	simm.s32 $0x0;
	s13 =	simm.s32 $0x0  }
0xb: {  	[tilespmem:s4], [sflag:$0x1] =	stream.strided.gather [hbm4b:s6+s8], $0x4000, s9, s8, $0x200038;
	[tilespmem:$0x10000] =	vst v63  }
0xc: {  	s14 =	simm.s32 $0x1;
	s15 =	simm.s32 $0x0;
	_ =	strace $0x90000048  }
.LBB2_2:
0xd: {  	s16 =	sadd.s32 $0x1, s17  }
0xe: {  	p0 =	seq.s32 s16, $0x80  }
0xf: {  	s16 =	simm.s32 @p0 $0x0  }
0x10: {  	p6 =	sne.s32 s15, $0x7F;
	p1 =	sne.s32 s17, s16  }
0x11: {  	p0 =	por !p6, !p1  }
0x12: {  	p0 =	por !p0, !p0  }
0x13: {  	s18 =	sadd.s32 @p0 s5, s16  }
0x14: {  	s19 =	sshll.u32 @p0 s16, $0x9;
	s18 =	sshll.u32 @p0 s18, $0xE  }
0x15: {  	s19 =	sand.u32 @p0 $0x200, s19;
	s18 =	sand.u32 @p0 $0xFFFF8000, s18  }
0x16: {  	_ =	strace @p0 $0x80000049;
	s21 =	simm.s32 @p0 $0x200;
	s18 =	sor.u32 @p0 s19, s18  }
0x17: {  	s22 =	simm.s32 @p0 $0x400;
	s19 =	sand.u32 @p0 $0x1, s14;
	s18 =	sshrl.u32 @p0 s18, $0x3  }
0x18: {  	s20 =	sshll.u32 @p0 s19, $0xE;
	s19 =	sadd.s32 @p0 $0x1, s19;
	s18 =	sadd.s32 @p0 s1, s18  }
0x19: {  	[tilespmem:s20], [sflag:s19] =	stream.strided.gather @p0 [hbm4b:s18+s21], $0x4000, s22, s21, $0x200038;
	[tilespmem:$0x10000] =	vst v63  }
0x1a: {  	s23 =	sand.u32 $0x1, s13;
	s24 =	sshll.u32 s13, $0xE;
	_ =	strace @p0 $0x90000049  }
0x1b: {  	s18 =	sadd.s32 $0x1, s23;
	s19 =	sand.u32 $0x4000, s24;
	_ =	strace $0x8000004A  }
0x1c: {  	v1 =	vmov s19;
	_ =	swait.ge [sflag:s18], $0x4000  }
0x1d: {  	[sflag:s18] =	ssyncset.done $0x0  }
0x1e: {  	s25 =	simm.s32 $0x0;
	[sflag:s18] =	ssyncadd.s32 $0xFFFFC000  }
0x1f: {  	s26 =	sand.u32 $0x70, s25;
	s18 =	sand.u32 $0x3E00, s25;
	_ =	strace $0x9000004A  }
0x20: {  	s31 =	sor.u32 s26, s18;
	_ =	strace $0x8000004B  }
0x21: {  	v0 =	vld.idx.msk [tilespmem:v1+s31+$0x0 ss:$0x1], $0xffff;
	_ =	sdelay $0x4  }
0x22: {  	(xrf2) =	vadd.scan.msk.f32 $0xffff, v0;
	_ =	sdelay $0x4  }
0x23: {  	s19 =	sand.u32 $0x1, s12  }
0x24: {  	s22 =	sshll.u32 s19, $0xE  }
0x25: {  	s18 =	sor.u32 $0x8000, s22  }
0x26: {  	v0 =	vmov s18;
	_ =	sdelay $0x1  }
0x27: {  	s20 =	simm.f32 $0.0e+00;
	v2, _, _ =	vpop (xrf2)  }
0x28: {  	v3 =	vadd.f32 s20, v2;
	_ =	sdelay $0x1  }
0x29: {  	s23 =	sor.u32 $0x80, s31;
	[tilespmem:v0+s31+$0x0 ss:$0x1] =	vst.idx.msk $0xffff, v3  }
0x2a: {  	v3 =	vld.idx.msk [tilespmem:v1+s23+$0x0 ss:$0x1], $0xffff;
	_ =	sdelay $0x4  }
0x2b: {  	(xrf2) =	vadd.scan.msk.f32 $0xffff, v3;
	_ =	sdelay $0x9  }
0x2c: {  	v3, _, _ =	vpop (xrf2)  }
0x2d: {  	v4 =	vadd.f32 s20, v3;
	_ =	sdelay $0x1  }
0x2e: {  	s24 =	sor.u32 $0x100, s31;
	[tilespmem:v0+s23+$0x0 ss:$0x1] =	vst.idx.msk $0xffff, v4  }
0x2f: {  	v4 =	vld.idx.msk [tilespmem:v1+s24+$0x0 ss:$0x1], $0xffff;
	_ =	sdelay $0x4  }
0x30: {  	(xrf2) =	vadd.scan.msk.f32 $0xffff, v4;
	_ =	sdelay $0x9  }
0x31: {  	v4, _, _ =	vpop (xrf2)  }
0x32: {  	(v2sf) =	vpush v2, $0xF;
	v2 =	vadd.f32 s20, v4  }
0x33: {  	(v2sf) =	vpush v3, $0xF  }
0x34: {  	s29 =	sor.u32 $0x180, s31;
	[tilespmem:v0+s24+$0x0 ss:$0x1] =	vst.idx.msk $0xffff, v2  }
0x35: {  	v2 =	vld.idx.msk [tilespmem:v1+s29+$0x0 ss:$0x1], $0xffff  }
0x36: {  	(v2sf) =	vpush v4, $0xF;
	_ =	sdelay $0x3  }
0x37: {  	(xrf2) =	vadd.scan.msk.f32 $0xffff, v2;
	_ =	sdelay $0x6  }
0x38: {  	s25 =	spop (v2sf)  }
0x39: {  	s26 =	spop (v2sf)  }
0x3a: {  	s23 =	sadd.f32 s26, s20;
	s26 =	simm.s32 $0x10  }
0x3b: {  	s21 =	sadd.s32 s5, s17;
	s28 =	sand.u32 $0x70, s26;
	v3, _, _ =	vpop (xrf2)  }
0x3c: {  	s24 =	sadd.f32 s25, s20;
	s25 =	simm.s32 $0x40;
	s31 =	spop (v2sf);
	v2 =	vadd.f32 s20, v3;
	(v2sf) =	vpush v3, $0xF  }
0x3d: {  	s26 =	simm.s32 $0x20;
	s30 =	sand.u32 $0x3E00, s25;
	s22 =	sadd.f32 s31, s20  }
.LBB2_3:
0x3e: {  	p2 =	sne.s32 s26, $0xFF0;
	s28 =	sor.u32 s28, s30;
	[tilespmem:v0+s29+$0x0 ss:$0x1] =	vst.idx.msk $0xffff, v2  }
0x3f: {  	v2 =	vld.idx.msk [tilespmem:v1+s28+$0x0 ss:$0x1], $0xffff;
	_ =	sdelay $0x5  }
0x40: {  	(xrf2) =	vadd.scan.msk.f32 $0xffff, v2;
	_ =	sdelay $0x5  }
0x41: {  	s29 =	spop (v2sf)  }
0x42: {  	s20 =	sadd.f32 s29, s20;
	_ =	sdelay $0x2  }
0x43: {  	v2, _, _ =	vpop (xrf2)  }
0x44: {  	v3 =	vadd.f32 s24, v2;
	(v2sf) =	vpush v2, $0xF;
	_ =	sdelay $0x1  }
0x45: {  	s29 =	sor.u32 $0x80, s28;
	[tilespmem:v0+s28+$0x0 ss:$0x1] =	vst.idx.msk $0xffff, v3  }
0x46: {  	v2 =	vld.idx.msk [tilespmem:v1+s29+$0x0 ss:$0x1], $0xffff;
	_ =	sdelay $0x5  }
0x47: {  	(xrf2) =	vadd.scan.msk.f32 $0xffff, v2;
	_ =	sdelay $0x5  }
0x48: {  	s30 =	spop (v2sf)  }
0x49: {  	s24 =	sadd.f32 s30, s24;
	_ =	sdelay $0x2  }
0x4a: {  	v2, _, _ =	vpop (xrf2)  }
0x4b: {  	v3 =	vadd.f32 s23, v2;
	(v2sf) =	vpush v2, $0xF;
	_ =	sdelay $0x1  }
0x4c: {  	[tilespmem:v0+s29+$0x0 ss:$0x1] =	vst.idx.msk $0xffff, v3;
	s29 =	sor.u32 $0x100, s28  }
0x4d: {  	v2 =	vld.idx.msk [tilespmem:v1+s29+$0x0 ss:$0x1], $0xffff;
	_ =	sdelay $0x5  }
0x4e: {  	(xrf2) =	vadd.scan.msk.f32 $0xffff, v2;
	_ =	sdelay $0x5  }
0x4f: {  	s30 =	spop (v2sf)  }
0x50: {  	s23 =	sadd.f32 s30, s23;
	_ =	sdelay $0x2  }
0x51: {  	v2, _, _ =	vpop (xrf2)  }
0x52: {  	v3 =	vadd.f32 s22, v2;
	(v2sf) =	vpush v2, $0xF;
	_ =	sdelay $0x1  }
0x53: {  	[tilespmem:v0+s29+$0x0 ss:$0x1] =	vst.idx.msk $0xffff, v3;
	s29 =	sor.u32 $0x180, s28  }
0x54: {  	v2 =	vld.idx.msk [tilespmem:v1+s29+$0x0 ss:$0x1], $0xffff;
	_ =	sdelay $0x5  }
0x55: {  	(xrf2) =	vadd.scan.msk.f32 $0xffff, v2;
	_ =	sdelay $0x5  }
0x56: {  	s28 =	spop (v2sf)  }
0x57: {  	s22 =	sadd.f32 s28, s22  }
.Ltmp0:
0x58: {  	(pc) =	sbr.rel @p2 .LBB2_3-.Ltmp0, $4  }
0x59: {  	_ = 	snop  }
0x5a: {  	v3, _, _ =	vpop (xrf2)  }
0x5b: {  	s25 =	sadd.s32 $0x40, s25;
	v2 =	vadd.f32 s20, v3;
	(v2sf) =	vpush v3, $0xF  }
0x5c: {  	s30 =	sand.u32 $0x3E00, s25;
	s28 =	sand.u32 $0x70, s26;
	s26 =	sadd.s32 $0x10, s26  }
0x5d: {  	_ =	sdelay $0x3  }
0x5e: {  	s25 =	sor.u32 s28, s30;
	[tilespmem:v0+s29+$0x0 ss:$0x1] =	vst.idx.msk $0xffff, v2  }
0x5f: {  	v2 =	vld.idx.msk [tilespmem:v1+s25+$0x0 ss:$0x1], $0xffff;
	_ =	sdelay $0x4  }
0x60: {  	(xrf2) =	vadd.scan.msk.f32 $0xffff, v2;
	_ =	sdelay $0x9  }
0x61: {  	v2, _, _ =	vpop (xrf2)  }
0x62: {  	v3 =	vadd.f32 s24, v2;
	_ =	sdelay $0x1  }
0x63: {  	s31 =	sor.u32 $0x80, s25;
	[tilespmem:v0+s25+$0x0 ss:$0x1] =	vst.idx.msk $0xffff, v3  }
0x64: {  	v3 =	vld.idx.msk [tilespmem:v1+s31+$0x0 ss:$0x1], $0xffff;
	_ =	sdelay $0x4  }
0x65: {  	(xrf2) =	vadd.scan.msk.f32 $0xffff, v3;
	_ =	sdelay $0x9  }
0x66: {  	v3, _, _ =	vpop (xrf2)  }
0x67: {  	v4 =	vadd.f32 s23, v3;
	_ =	sdelay $0x1  }
0x68: {  	s24 =	sor.u32 $0x100, s25;
	[tilespmem:v0+s31+$0x0 ss:$0x1] =	vst.idx.msk $0xffff, v4  }
0x69: {  	v4 =	vld.idx.msk [tilespmem:v1+s24+$0x0 ss:$0x1], $0xffff;
	_ =	sdelay $0x4  }
0x6a: {  	(xrf2) =	vadd.scan.msk.f32 $0xffff, v4;
	_ =	sdelay $0x9  }
0x6b: {  	v4, _, _ =	vpop (xrf2)  }
0x6c: {  	v5 =	vadd.f32 s22, v4;
	_ =	sdelay $0x1  }
0x6d: {  	s25 =	sor.u32 $0x180, s25;
	[tilespmem:v0+s24+$0x0 ss:$0x1] =	vst.idx.msk $0xffff, v5  }
0x6e: {  	v63 =	vld.idx.msk [tilespmem:v1+s25+$0x0 ss:$0x1], $0xffff;
	_ =	sdelay $0x4  }
0x6f: {  	(xrf2) =	vadd.scan.msk.f32 $0xffff, v63;
	_ =	sdelay $0x7  }
0x70: {  	(v2sf) =	vpush v2, $0xF  }
0x71: {  	(v2sf) =	vpush v3, $0xF  }
0x72: {  	(v2sf) =	vpush v4, $0xF;
	v1, _, _ =	vpop (xrf2)  }
0x73: {  	(v2sf) =	vpush v1, $0xF;
	_ =	sdelay $0x8  }
0x74: {  	p2 =	seq.s32 s15, $0x7F  }
0x75: {  	p1 =	por p2, p1;
	s26 =	spop (v2sf)  }
0x76: {  	s17 =	sshll.u32 @p1 s17, $0x9;
	s20 =	sadd.f32 s26, s20  }
0x77: {  	s19 =	sadd.s32 @p1 $0x3, s19;
	s17 =	sand.u32 @p1 $0x200, s17;
	s28 =	spop (v2sf)  }
0x78: {  	s29 =	spop (v2sf);
	s22 =	simm.s32 @p1 $0x400;
	v1 =	vadd.f32 s20, v1;
	s20 =	sshll.u32 @p1 s21, $0xE  }
0x79: {  	s30 =	spop (v2sf);
	s21 =	simm.s32 $0x1;
	s20 =	sand.u32 @p1 $0xFFFF8000, s20  }
0x7a: {  	s21 =	simm.s32 @!p0 $0x0;
	[tilespmem:v0+s25+$0x0 ss:$0x1] =	vst.idx.msk $0xffff, v1;
	s17 =	sor.u32 @p1 s17, s20;
	s31 =	spop (v2sf)  }
0x7b: {  	p0 =	seq.s32 s15, $0x0;
	s17 =	sshrl.u32 @p1 s17, $0x3;
	_ =	strace $0x9000004B  }
0x7c: {  	s20 =	simm.s32 @p1 $0x200;
	s17 =	sadd.s32 @p1 s2, s17;
	_ =	strace @p1 $0x8000004C  }
0x7d: {  	[hbm4b:s17+s20] =	stream.strided.scatter @p1 [tilespmem:s18], [sflag:s19], $0x4000, s22, s20, $0x200038;
	[tilespmem:$0x10000] =	vst v63  }
0x7e: {  	s17 =	simm.s32 $0x1;
	s19 =	simm.s32 $0x1;
	_ =	strace @p1 $0x9000004C  }
0x7f: {  	s17 =	simm.s32 @!p1 $0x0;
	p1 =	sne.s32 s15, $0x0;
	s15 =	sadd.s32 $0x1, s15  }
0x80: {  	s18 =	sand.u32 @!p0 $0x1, s11;
	s19 =	simm.s32 @!p1 $0x0;
	p1 =	sne.s32 s15, $0x80  }
.Ltmp1:
0x81: {  	s18 =	sadd.s32 @!p0 $0x3, s18;
	_ =	strace @!p0 $0x8000004D;
	(pc) =	sbr.rel @p1 .LBB2_2-.Ltmp1, $4  }
0x82: {  	_ =	swait.ge @!p0 [sflag:s18], $0x4000  }
0x83: {  	s14 =	sadd.s32 s21, s14;
	[sflag:s18] =	ssyncset.done @!p0 $0x0  }
0x84: {  	s12 =	sadd.s32 s17, s12;
	s13 =	sadd.s32 s17, s13;
	[sflag:s18] =	ssyncadd.s32 @!p0 $0xFFFFC000  }
0x85: {  	s17 =	smov.u32 s16;
	s11 =	sadd.s32 s19, s11;
	_ =	strace @!p0 $0x9000004D  }
0x86: {  	s10 =	sadd.s32 $0x1, s10  }
0x87: {  	s11 =	sand.u32 $0x1, s11;
	p0 =	sne.s32 s10, s7  }
.Ltmp2:
0x88: {  	_ =	strace $0x8000004E;
	s11 =	sadd.s32 $0x3, s11;
	(pc) =	sbr.rel @p0 .LBB2_1-.Ltmp2, $4  }
0x89: {  	_ =	swait.ge [sflag:s11], $0x4000  }
0x8a: {  	[sflag:s11] =	ssyncset.done $0x0  }
0x8b: {  	[sflag:s11] =	ssyncadd.s32 $0xFFFFC000  }
0x8c: {  	_ =	strace $0x9000004E  }
0x8d: {  	_ =	sfence.sel $0x180000  }
0x8e: {  	[bflag:$0x0] =	sbarrier.arrive $0xFFFF  }
0x8f: {  	p0 =	sne.s32 s3, $0x0;
	_ =	strace $0x90000047  }
0x90: {  	s0 =	sadd.s32 @!p0 $0x100000, s0;
	[bflag:$0x2] =	sbarrier.arrive $0xFFFF  }
0x91: {  	[sflag:s0] =	ssyncadd.tile.s32 @!p0 $0x1;
	_ =	shalt  }
.Lfunc_end2:
_tile_overlayer_lowered:
.L_overlay_start_2:
0x92: {  	(tag) =	ssettag $0x2  }
0x93: {  	s0 =	rddreg [dreg:$0x0];
	s2 =	stileid.u32  }
0x94: {  	s1 =	rddreg [dreg:$0x1];
	p0 =	sne.s32 s2, $0x0  }
0x95: {  	s3 =	rddreg [dreg:$0x2];
	[bflag:$0x3] =	sbarrier.arrive $0xFFFF;
	s2 =	simm.s32 @!p0 $0x1C01  }
0x96: {  	[timem:s3], [sflag:s2] =	dma.local @!p0 [hbm:s0], s1  }
0x97: {  	s0 =	simm.s32 @!p0 $0x1  }
0x98: {  	_ =	swait.ge @!p0 [sflag:s0], s1  }
0x99: {  	s1 =	ssub.s32 @!p0 $0x0, s1;
	[sflag:s0] =	ssyncset.done @!p0 $0x0  }
0x9a: {  	[sflag:s0] =	ssyncadd.s32 @!p0 s1  }
0x9b: {  	[bflag:$0x3] =	sbarrier.arrive $0xFFFF  }
0x9c: {  	_ =	shalt  }

</sc_bundles>
